<compile_context>
chip_gen: v7x
topology: tpu7x:2x2x1
jax: 0.10.2.dev20260603
libtpu: 0.0.44.dev20260713+nightly
codegen_flags: <defaults>
</compile_context>

<pallas_src>
import jax
import jax.numpy as jnp
from jax.experimental import pallas as pl
from jax.experimental.pallas import tpu as pltpu


def _lerp_body(a_ref, c_ref, g_ref, o_ref):
    a = a_ref[0, 0, 0]
    c = c_ref[...]
    o_ref[...] = c + a * (g_ref[...] - c)


def kernel(x):
    B, C, W, H = x.shape
    N = W * H
    kp = jax.random.fold_in(jax.random.key(42), 1)
    kl = jax.random.fold_in(jax.random.key(42), 2)
    perm = jax.random.permutation(kp, B)
    lmda = jax.random.beta(kl, 0.1, 0.1, (B, 1, 1)).astype(x.dtype)
    content = x.reshape(B, C, N)
    style = x[perm].reshape(B, C, N)
    value_style = jnp.sort(style, axis=-1)
    iota = jax.lax.broadcasted_iota(jnp.int32, (B, C, N), 2)
    sorted_content, idx = jax.lax.sort((content, iota), dimension=2, num_keys=1)

    a = jnp.broadcast_to(1.0 - lmda, (B, C, 1)).reshape(B * C, 1, 1)
    sc = sorted_content.reshape(B * C, 1, N)
    vs = value_style.reshape(B * C, 1, N)

    merged = pl.pallas_call(
        _lerp_body,
        grid=(B * C,),
        in_specs=[
            pl.BlockSpec((1, 1, 1), lambda i: (i, 0, 0), memory_space=pltpu.SMEM),
            pl.BlockSpec((1, 1, N), lambda i: (i, 0, 0)),
            pl.BlockSpec((1, 1, N), lambda i: (i, 0, 0)),
        ],
        out_specs=pl.BlockSpec((1, 1, N), lambda i: (i, 0, 0)),
        out_shape=jax.ShapeDtypeStruct((B * C, 1, N), x.dtype),
    )(a, sc, vs)

    merged = merged.reshape(B, C, N)
    out = jnp.zeros((B, C, N), x.dtype).at[
        jnp.arange(B)[:, None, None], jnp.arange(C)[None, :, None], idx
    ].set(merged)
    return out.reshape(B, C, W, H)

# --- scband reference (transcript-rebuilt; emitter-appended) ---
"""Pipeline reference for scband-efdmix-44590350467747 (READ-ONLY COPY).

The authoritative reference and input builder live on the scoring server;
editing this copy changes nothing except your own understanding.
"""

import jax, jax.numpy as jnp
import numpy as np


def setup_inputs(seed: int = 0) -> dict:
    key = jax.random.key(seed)
    x = jax.random.normal(key, (8, 96, 224, 224), dtype=jnp.float32)
    return {"x": x}


def reference(x):
    # EFDMix forward (training mode, p=1.0 so mixing always applied).
    # torch randomness (randperm, Beta(0.1,0.1) sample) made deterministic via fixed jax keys.
    B, C, W, H = x.shape
    kp = jax.random.fold_in(jax.random.key(42), 1)
    kl = jax.random.fold_in(jax.random.key(42), 2)
    perm = jax.random.permutation(kp, B)
    lmda = jax.random.beta(kl, 0.1, 0.1, (B, 1, 1)).astype(x.dtype)
    content = x.reshape(B, C, -1)
    style = jax.lax.stop_gradient(x)[perm].reshape(B, C, -1)
    # torch.sort returns (values, indices); we need indices of content sort
    index_content = jnp.argsort(content, axis=-1)
    value_style = jnp.sort(style, axis=-1)
    inverse_index = jnp.argsort(index_content, axis=-1)
    gathered = jnp.take_along_axis(value_style, inverse_index, axis=-1)
    transferred = content + (1.0 - lmda) * jax.lax.stop_gradient(gathered - content)
    return transferred.reshape(B, C, W, H)

if __name__ == "__main__":
    import jax
    _d = setup_inputs()
    print(jax.jit(kernel)(*tuple(_d.values())))

</pallas_src>

<mosaic_0001>
module attributes {stable_mosaic.version = 14 : i64} {
  func.func @_lerp_body(%arg0: i32, %arg1: memref<1x1x1xf32, #tpu.memory_space<smem>>, %arg2: memref<1x1x50176xf32, #tpu.memory_space<vmem>>, %arg3: memref<1x1x50176xf32, #tpu.memory_space<vmem>>, %arg4: memref<1x1x50176xf32, #tpu.memory_space<vmem>>) attributes {dimension_semantics = [#tpu.dimension_semantics<arbitrary>], iteration_bounds = array<i64: 768>, scalar_prefetch = 0 : i64, scratch_operands = 0 : i64, tpu.core_type = #tpu.core_type<tc>, window_params = [{transform_indices = @transform_0, window_bounds = array<i64: 1, 1, 1>}, {transform_indices = @transform_1, window_bounds = array<i64: 1, 1, 50176>}, {transform_indices = @transform_2, window_bounds = array<i64: 1, 1, 50176>}, {transform_indices = @transform_3, window_bounds = array<i64: 1, 1, 50176>}]} {
    %get3A = arith.constant 0 : index
    %get3A_0 = arith.constant 0 : index
    %get3A_1 = arith.constant 0 : index
    %get3A_2 = memref.load %arg1[%get3A, %get3A_0, %get3A_1] : memref<1x1x1xf32, #tpu.memory_space<smem>>
    %get3A_3 = arith.constant 0 : index
    %get3A_4 = arith.constant 0 : index
    %get3A_5 = arith.constant 0 : index
    %get3A_6 = vector.load %arg2[%get3A_3, %get3A_4, %get3A_5] : memref<1x1x50176xf32, #tpu.memory_space<vmem>>, vector<1x1x50176xf32>
    %get3A_7 = arith.constant 0 : index
    %get3A_8 = arith.constant 0 : index
    %get3A_9 = arith.constant 0 : index
    %get3A_10 = vector.load %arg3[%get3A_7, %get3A_8, %get3A_9] : memref<1x1x50176xf32, #tpu.memory_space<vmem>>, vector<1x1x50176xf32>
    %sub3A = arith.subf %get3A_10, %get3A_6 : vector<1x1x50176xf32>
    %mul3A = vector.broadcast %get3A_2 : f32 to vector<1x1x50176xf32>
    %mul3A_11 = arith.mulf %mul3A, %sub3A : vector<1x1x50176xf32>
    %add3A = arith.addf %get3A_6, %mul3A_11 : vector<1x1x50176xf32>
    %swap3A = arith.constant 0 : index
    %swap3A_12 = arith.constant 0 : index
    %swap3A_13 = arith.constant 0 : index
    %swap3A_14 = vector.load %arg4[%swap3A, %swap3A_12, %swap3A_13] : memref<1x1x50176xf32, #tpu.memory_space<vmem>>, vector<1x1x50176xf32>
    tpu.vector_store %arg4[%swap3A, %swap3A_12, %swap3A_13], %add3A {strides = array<i32>} : memref<1x1x50176xf32, #tpu.memory_space<vmem>>, vector<1x1x50176xf32>,
    return
  }
  func.func @transform_0(%arg0: i32) -> (i32, i32, i32) {
    %c0_i32 = arith.constant 0 : i32
    %c0_i32_0 = arith.constant 0 : i32
    %c0_i32_1 = arith.constant 0 : i32
    return %arg0, %c0_i32, %c0_i32_0 : i32, i32, i32
  }
  func.func @transform_1(%arg0: i32) -> (i32, i32, i32) {
    %c0_i32 = arith.constant 0 : i32
    %c0_i32_0 = arith.constant 0 : i32
    %c0_i32_1 = arith.constant 0 : i32
    return %arg0, %c0_i32, %c0_i32_0 : i32, i32, i32
  }
  func.func @transform_2(%arg0: i32) -> (i32, i32, i32) {
    %c0_i32 = arith.constant 0 : i32
    %c0_i32_0 = arith.constant 0 : i32
    %c0_i32_1 = arith.constant 0 : i32
    return %arg0, %c0_i32, %c0_i32_0 : i32, i32, i32
  }
  func.func @transform_3(%arg0: i32) -> (i32, i32, i32) {
    %c0_i32 = arith.constant 0 : i32
    %c0_i32_0 = arith.constant 0 : i32
    %c0_i32_1 = arith.constant 0 : i32
    return %arg0, %c0_i32, %c0_i32_0 : i32, i32, i32
  }
}

</mosaic_0001>

<sc_bundles>
// kernel: sparse-core-data-format-call.cloned.1.call-start
scs
called_computation_lowered:
.L_overlay_start_0:
0x0: {  	s1 =	sld [smem:$0x3FD9]  }
0x1: {  	s2 =	sld [smem:$0x3FFE];
	_ =	sdelay $0x1  }
0x2: {  	s3 =	srdreg.scid  }
0x3: {  	s0 =	sand.u32 $0x1, s3  }
0x4: {  	s17 =	sshll.u32 s0, $0xA;
	s1 =	sadd.s32 s2, s1  }
0x5: {  	s1 =	sadd.s32 s1, s17  }
0x6: {  	[smem:$0x3FC7] =	sst s1  }
0x7: {  	_ = 	snop  }
0x8: {  	(tm) =	ssettm $0x1  }
0x9: {  	s18 =	sld [smem:$0x3FFB];
	_ =	sdelay $0x3  }
0xa: {  	_ =	strace s18  }
0xb: {  	s1 =	sld [smem:$0x3FFC];
	_ =	sdelay $0x3  }
0xc: {  	_ =	strace s1  }
0xd: {  	s1 =	sld [smem:$0x3FFD];
	_ =	sdelay $0x3  }
0xe: {  	_ =	strace s1  }
0xf: {  	_ =	strace $0x8FFFFFFF  }
0x10: {  	s19 =	sld [smem:$0x3FDB];
	_ =	sdelay $0x1  }
0x11: {  	s20 =	simm.s32 $_scs_section_size  }
0x12: {  	s4 =	simm.s32 $_size__tile_overlayer_lowered;
	s5 =	simm.s32 $_tile_overlayer_lowered  }
0x13: {  	s23 =	simm.s32 $0x1BFF;
	s22 =	sshll.u32 s5, $0x1;
	s1 =	sadd.s32 s20, s19  }
0x14: {  	s6 =	simm.s32 $0x0;
	s21 =	sshll.u32 s4, $0x1;
	s4 =	sadd.s32 s22, s1  }
0x15: {  	[timem:s6], [sflag:s23] =	dma.local [hbm:s4], s21  }
0x16: {  	_ =	swait.ge [sflag:s23], s21  }
0x17: {  	s2 =	ssub.s32 $0x0, s21;
	[sflag:s23] =	ssyncset.done $0x0  }
0x18: {  	[sflag:s23] =	ssyncadd.s32 s2;
	_ =	sdelay $0x1  }
0x19: {  	s24 =	simm.s32 $0x1B8B  }
0x1a: {  	_ =	swait.ge [sflag:s24], $0x1  }
0x1b: {  	[sflag:s24] =	ssyncset.done $0x0  }
0x1c: {  	s26 =	simm.s32 $0x1B8E;
	s25 =	sld [smem:$0x3FFE];
	[sflag:s24] =	ssyncadd.s32 $0xFFFFFFFF  }
0x1d: {  	s27 =	simm.s32 $execute0_lowered;
	[smem:$0x3FD2] =	sst s26  }
0x1e: {  	s4 =	sshll.u32 s27, $0x1;
	_ =	strace $0x80000046;
	[dreg:$0x1] =	wrdreg $0xFFFFFFFF  }
0x1f: {  	s28 =	simm.s32 $_size_execute0_lowered;
	s1 =	sadd.s32 s1, s4;
	[dreg:$0x0] =	wrdreg $0x0  }
0x20: {  	s4 =	sshll.u32 s28, $0x1;
	[dreg:$0x2] =	wrdreg s1  }
0x21: {  	[dreg:$0x3] =	wrdreg s4  }
0x22: {  	[dreg:$0x4] =	wrdreg $0xC0  }
0x23: {  	_ =	task [dreg:s6], $0x5FFFF  }
0x24: {  	[dreg:$0x1] =	wrdreg $0xFFFFFFFF  }
0x25: {  	[dreg:$0x0] =	wrdreg $0x60  }
0x26: {  	[dreg:$0x2] =	wrdreg s25  }
0x27: {  	[dreg:$0x3] =	wrdreg $0x9  }
0x28: {  	_ =	task.clear_ibuf [dreg:s6], $0x4FFFF;
	_ =	strace $0x90000046  }
0x29: {  	s29 =	simm.s32 $0x9;
	_ =	strace $0x80000048  }
0x2a: {  	_ =	swait.ge [sflag:s29], $0x1  }
0x2b: {  	[sflag:s29] =	ssyncadd.s32 $0xFFFFFFFF  }
0x2c: {  	_ =	strace $0x90000048  }
0x2d: {  	_ =	sfence  }
0x2e: {  	s30 =	sld [smem:$0x0];
	_ =	sdelay $0x2  }
0x2f: {  	s31 =	sshll.u32 s3, $0xD;
	s3 =	sshrl.u32 s3, $0x2  }
0x30: {  	s2 =	sand.u32 $0x4000, s31;
	s1 =	sadd.s32 s3, s30  }
0x31: {  	s0 =	sor.u32 s2, s0;
	s1 =	sshll.u32 s1, $0x11  }
0x32: {  	s0 =	sor.u32 s1, s0  }
0x33: {  	s0 =	sadd.s32 $0x8F2B, s0  }
0x34: {  	[sflag:s0] =	ssyncadd.remote.s32 $0x1  }
0x35: {  	_ =	sfence.sel $0xFFFF  }
0x36: {  	[dreg:$0x0] =	wrdreg $0xFFFFFFFF;
	(pc) =	sbr.abs _section_cstart, $3  }
0x37: {  	[dreg:$0x1] =	wrdreg $0xFFFFFFFF  }
0x38: {  	_ =	task.clear_ibuf [dreg:s6], $0x2FFFF;
	_ =	strace $0x9FFFFFFF  }
0x39: {  	(tm) =	ssettm $0x7FFFFFFF  }
tec
execute0_lowered:
.L_overlay_start_1:
0x0: {  	(tag) =	ssettag $0x1  }
0x1: {  	s0 =	srdreg.scid  }
0x2: {  	s1 =	sshll.u32 s0, $0x4  }
0x3: {  	s0 =	stileid.u32;
	s1 =	sand.u32 $0x10, s1  }
0x4: {  	s1 =	sor.u32 s0, s1  }
0x5: {  	s4 =	simm.s32 $0x1;
	s7 =	simm.s32 $0x2;
	s2 =	sshll.u32 s1, $0x3  }
0x6: {  	s14 =	simm.s32 $0x0;
	s8 =	simm.s32 $0x400;
	s1 =	ssub.s32 $0x188, s2  }
0x7: {  	s9 =	simm.s32 $0xC400;
	s10 =	simm.s32 $0x0;
	s3 =	sand.u32 $0xF8, s1  }
0x8: {  	s15 =	simm.s32 $0x0;
	s5 =	sshrl.u32 s1, $0x8;
	p0 =	sne.s32 s3, $0x0  }
.Ltmp0:
0x9: {  	s1 =	rddreg [dreg:$0x1];
	s4 =	simm.s32 @!p0 $0x0;
	(pc) =	sbr.rel .LBB1_1-.Ltmp0, $4  }
0xa: {  	s12 =	simm.s32 $0x0;
	s3 =	rddreg [dreg:$0x0];
	s5 =	sadd.s32 s4, s5  }
0xb: {  	_ =	strace $0x80000047;
	s4 =	simm.s32 $0x1;
	s5 =	smul.u32 $0x30, s5  }
0xc: {  	s13 =	simm.s32 $0x0;
	s11 =	smov.u32 s2;
	[sflag:s4] =	ssyncpa.u1 $0x0  }
0xd: {  	s6 =	sadd.s32 $0xDC8000, s3;
	[sflag:s7] =	ssyncpa.u1 $0x0;
	s7 =	sor.u32 $0x1, s5  }
.LBB1_9:
0xe: {  	s16 =	sadd.s32 $0x100, s11  }
0xf: {  	s14 =	sadd.s32 $0x2, s12;
	s18 =	smov.u32 s12;
	p1 =	sgt.s32 s16, $0x187  }
0x10: {  	s18 =	smov.u32 @p1 s14  }
0x11: {  	s16 =	smov.u32 @p1 s2;
	p1 =	sgt.s32 s18, $0x5F  }
0x12: {  	s18 =	simm.s32 @p1 $0x0;
	p1 =	sne.s32 s13, s7  }
.Ltmp1:
0x13: {  	p0 =	slt.u32 s13, $0x2;
	(pc) =	sbr.rel @!p1 .LBB1_10-.Ltmp1, $4  }
0x14: {  	s17 =	simm.s32 @!p0 $0x2  }
0x15: {  	s15 =	smov.u32 s12;
	s10 =	sadd.s32 $0x4000, s10;
	_ =	swait.ge @!p0 [sflag:s17], $0x4000  }
0x16: {  	s14 =	smov.u32 s11;
	[sflag:s17] =	ssyncset.done @!p0 $0x0;
	s11 =	smov.u32 s16  }
0x17: {  	s13 =	sadd.s32 $0x1, s13;
	[sflag:s17] =	ssyncadd.s32 @!p0 $0xFFFFC000;
	s12 =	smov.u32 s18  }
.LBB1_1:
0x18: {  	p0 =	sge.u32 s13, s5  }
0x19: {  	s17 =	smul.u32 @!p0 $0xC400, s12  }
0x1a: {  	s31 =	sadd.s32 $0xFFFFFFFF, s13;
	s16 =	sxor.u32 @!p0 $0xFFFFFFFF, s13;
	s18 =	sshll.u32 @!p0 s11, $0x7  }
0x1b: {  	s19 =	simm.s32 @!p0 $0x62000;
	s16 =	sshll.u32 @!p0 s16, $0xE;
	s17 =	sadd.s32 @!p0 s6, s17  }
0x1c: {  	s16 =	sand.u32 @!p0 $0x4000, s16;
	s17 =	sadd.s32 @!p0 s18, s17;
	s18 =	simm.s32 @!p0 $0x2000  }
0x1d: {  	[tilespmem:s16], [sflag:$0x1] =	stream.strided.gather @!p0 [hbm4b:s17+s18], $0x4000, s19, s18, $0x38;
	[tilespmem:$0x10000] =	vst v63  }
0x1e: {  	p0 =	sge.u32 s31, s5  }
.Ltmp2:
0x1f: {  	_ = 	snop;
	(pc) =	sbr.rel @p0 .LBB1_9-.Ltmp2, $1  }
0x20: {  	_ =	sdelay $0x3  }
0x21: {  	s16 =	sshll.u32 s10, $0x2  }
0x22: {  	_ =	swait.ge [sflag:s4], $0x4000;
	s17 =	sshll.u32 s13, $0xE;
	s19 =	simm.s32 $0x0  }
0x23: {  	p1 =	por $0x1, $0x1;
	s16 =	sand.u32 $0x10000, s16;
	[sflag:s4] =	ssyncset.done $0x0  }
0x24: {  	s17 =	sand.u32 $0x4000, s17;
	s18 =	sshrl.u32 s16, $0x2;
	[sflag:s4] =	ssyncadd.s32 $0xFFFFC000  }
0x25: {  	s16 =	sor.u32 $0x8000, s17;
	s17 =	sadd.s32 $0x8040, s18;
	s18 =	sadd.s32 $0x40, s18  }
.LBB1_3:
0x26: {  	s19 =	sshll.u32 s19, $0x2  }
0x27: {  	p0 =	por p1, p1;
	s20 =	sshra.s32 s19, $0x2  }
0x28: {  	s21 =	simm.s32 $0x0;
	s19 =	sadd.s32 s20, s17;
	s20 =	sadd.s32 s20, s18  }
.LBB1_4:
0x29: {  	v0 =	vmov s20;
	_ =	sdelay $0x3  }
0x2a: {  	s23 =	simm.s32 $0x0  }
0x2b: {  	v6 =	vld.idx.msk [tilespmem:v0+s23+$0x30 ss:$0x1], $0xffff  }
0x2c: {  	v7 =	vld.idx.msk [tilespmem:v0+s23+$0xFFFFFFC0 ss:$0x1], $0xffff  }
0x2d: {  	v5 =	vld.idx.msk [tilespmem:v0+s23+$0xFFFFFFD0 ss:$0x1], $0xffff  }
0x2e: {  	v4 =	vld.idx.msk [tilespmem:v0+s23+$0xFFFFFFE0 ss:$0x1], $0xffff  }
0x2f: {  	v3 =	vld.idx.msk [tilespmem:v0+s23+$0xFFFFFFF0 ss:$0x1], $0xffff  }
0x30: {  	v1 =	vld.idx.msk [tilespmem:v0+s23+$0x0 ss:$0x1], $0xffff  }
0x31: {  	v2 =	vld.idx.msk [tilespmem:v0+s23+$0x10 ss:$0x1], $0xffff;
	[tilespmem:s19+$0x30] =	vst v6  }
0x32: {  	s22 =	simm.s32 $0x80;
	s24 =	simm.s32 $0x400;
	[tilespmem:s19+$0xFFFFFFC0] =	vst v7;
	v6 =	vld.idx.msk [tilespmem:v0+s23+$0x20 ss:$0x1], $0xffff;
	s23 =	smov.u32 s19  }
.LBB1_5:
0x33: {  	p1 =	sne.s32 s24, $0xE00;
	v7 =	vld.idx.msk [tilespmem:v0+s22+$0x30 ss:$0x1], $0xffff;
	[tilespmem:s23+$0xFFFFFFD0] =	vst v5  }
0x34: {  	v8 =	vld.idx.msk [tilespmem:v0+s22+$0xFFFFFFC0 ss:$0x1], $0xffff;
	[tilespmem:s23+$0xFFFFFFE0] =	vst v4  }
0x35: {  	v5 =	vld.idx.msk [tilespmem:v0+s22+$0xFFFFFFD0 ss:$0x1], $0xffff;
	[tilespmem:s23+$0xFFFFFFF0] =	vst v3  }
.Ltmp3:
0x36: {  	v4 =	vld.idx.msk [tilespmem:v0+s22+$0xFFFFFFE0 ss:$0x1], $0xffff;
	[tilespmem:s23+$0x0] =	vst v1;
	(pc) =	sbr.rel @p1 .LBB1_5-.Ltmp3, $4  }
0x37: {  	v3 =	vld.idx.msk [tilespmem:v0+s22+$0xFFFFFFF0 ss:$0x1], $0xffff;
	[tilespmem:s23+$0x10] =	vst v2  }
0x38: {  	v1 =	vld.idx.msk [tilespmem:v0+s22+$0x0 ss:$0x1], $0xffff;
	[tilespmem:s23+$0x20] =	vst v6;
	s23 =	sadd.s32 $0x400, s23  }
0x39: {  	v2 =	vld.idx.msk [tilespmem:v0+s22+$0x10 ss:$0x1], $0xffff;
	[tilespmem:s23+$0x30] =	vst v7  }
0x3a: {  	[tilespmem:s23+$0xFFFFFFC0] =	vst v8;
	v6 =	vld.idx.msk [tilespmem:v0+s22+$0x20 ss:$0x1], $0xffff;
	s22 =	sshra.s32 s24, $0x2;
	s24 =	sadd.s32 $0x200, s24  }
0x3b: {  	_ =	sdelay $0x2  }
0x3c: {  	[tilespmem:s23+$0xFFFFFFD0] =	vst v5  }
0x3d: {  	v56 =	vld.idx.msk [tilespmem:v0+s22+$0x30 ss:$0x1], $0xffff;
	[tilespmem:s23+$0xFFFFFFE0] =	vst v4  }
0x3e: {  	v57 =	vld.idx.msk [tilespmem:v0+s22+$0xFFFFFFC0 ss:$0x1], $0xffff;
	[tilespmem:s23+$0xFFFFFFF0] =	vst v3  }
0x3f: {  	v58 =	vld.idx.msk [tilespmem:v0+s22+$0xFFFFFFD0 ss:$0x1], $0xffff;
	[tilespmem:s23+$0x0] =	vst v1  }
0x40: {  	v59 =	vld.idx.msk [tilespmem:v0+s22+$0xFFFFFFE0 ss:$0x1], $0xffff;
	[tilespmem:s23+$0x10] =	vst v2  }
0x41: {  	v60 =	vld.idx.msk [tilespmem:v0+s22+$0xFFFFFFF0 ss:$0x1], $0xffff;
	s31 =	sadd.s32 $0x400, s23;
	[tilespmem:s23+$0x20] =	vst v6  }
0x42: {  	v61 =	vld.idx.msk [tilespmem:v0+s22+$0x0 ss:$0x1], $0xffff;
	[tilespmem:s31+$0x30] =	vst v56  }
0x43: {  	v62 =	vld.idx.msk [tilespmem:v0+s22+$0x10 ss:$0x1], $0xffff;
	s21 =	sadd.s32 $0x1, s21;
	[tilespmem:s31+$0xFFFFFFC0] =	vst v57  }
0x44: {  	v63 =	vld.idx.msk [tilespmem:v0+s22+$0x20 ss:$0x1], $0xffff;
	p1 =	sne.s32 s21, $0x8;
	[tilespmem:s31+$0xFFFFFFD0] =	vst v58  }
.Ltmp4:
0x45: {  	[tilespmem:s31+$0xFFFFFFE0] =	vst v59;
	(pc) =	sbr.rel @p1 .LBB1_4-.Ltmp4, $4  }
0x46: {  	[tilespmem:s31+$0xFFFFFFF0] =	vst v60  }
0x47: {  	[tilespmem:s31+$0x0] =	vst v61  }
0x48: {  	[tilespmem:s31+$0x10] =	vst v62  }
0x49: {  	s19 =	sadd.s32 $0x80, s19;
	s20 =	sadd.s32 $0x400, s20;
	[tilespmem:s31+$0x20] =	vst v63  }
.Ltmp5:
0x4a: {  	(pc) =	sbr.rel @p0 .LBB1_3-.Ltmp5, $2  }
0x4b: {  	_ =	sdelay $0x2  }
0x4c: {  	s19 =	simm.s32 $0x2000;
	p1 =	por $0x0, $0x0  }
0x4d: {  	s14 =	sand.u32 $0x1FFFFFF, s14  }
0x4e: {  	s17 =	smulhi.u32 $0x14E5E0B, s14;
	_ =	sdelay $0x1  }
0x4f: {  	s15 =	smul.u32 $0xC400, s15;
	s17 =	sshrl.u32 s17, $0x1  }
0x50: {  	s17 =	smul.u32 $0x188, s17  }
.Ltmp6:
0x51: {  	_ = 	snop;
	(pc) =	sbr.rel .LBB1_9-.Ltmp6, $4  }
0x52: {  	s14 =	ssub.s32 s14, s17  }
0x53: {  	s15 =	sadd.s32 s3, s15;
	s14 =	sshll.u32 s14, $0x4  }
0x54: {  	s14 =	sadd.s32 s14, s15  }
0x55: {  	[hbm4b:s14+s8] =	stream.strided.scatter [tilespmem:s16], [sflag:$0x2], $0x4000, s9, s8, $0x38;
	[tilespmem:$0x10000] =	vst v63  }
.LBB1_10:
0x56: {  	_ =	sfence.sel $0x180000  }
0x57: {  	s2 =	simm.s32 $0x1;
	[bflag:$0x0] =	sbarrier.arrive $0xFFFF  }
0x58: {  	s31 =	simm.s32 $0x2;
	[sflag:s2] =	ssyncpa.u1 $0x1  }
0x59: {  	[sflag:s31] =	ssyncpa.u1 $0x1  }
0x5a: {  	p0 =	sne.s32 s0, $0x0;
	_ =	strace $0x90000047  }
0x5b: {  	s0 =	sadd.s32 @!p0 $0x100000, s1;
	[bflag:$0x2] =	sbarrier.arrive $0xFFFF  }
0x5c: {  	[sflag:s0] =	ssyncadd.tile.s32 @!p0 $0x1;
	_ =	shalt  }
.Lfunc_end1:
_tile_overlayer_lowered:
.L_overlay_start_2:
0x5d: {  	(tag) =	ssettag $0x2  }
0x5e: {  	s0 =	rddreg [dreg:$0x0];
	s2 =	stileid.u32  }
0x5f: {  	s1 =	rddreg [dreg:$0x1];
	p0 =	sne.s32 s2, $0x0  }
0x60: {  	s3 =	rddreg [dreg:$0x2];
	[bflag:$0x3] =	sbarrier.arrive $0xFFFF;
	s2 =	simm.s32 @!p0 $0x1C01  }
0x61: {  	[timem:s3], [sflag:s2] =	dma.local @!p0 [hbm:s0], s1  }
0x62: {  	s0 =	simm.s32 @!p0 $0x1  }
0x63: {  	_ =	swait.ge @!p0 [sflag:s0], s1  }
0x64: {  	s1 =	ssub.s32 @!p0 $0x0, s1;
	[sflag:s0] =	ssyncset.done @!p0 $0x0  }
0x65: {  	[sflag:s0] =	ssyncadd.s32 @!p0 s1  }
0x66: {  	[bflag:$0x3] =	sbarrier.arrive $0xFFFF  }
0x67: {  	_ =	shalt  }

</sc_bundles>
